<compile_context>
chip_gen: v7x
topology: tpu7x:2x2x1
jax: 0.10.2.dev20260603
libtpu: 0.0.44.dev20260713+nightly
codegen_flags: <defaults>
</compile_context>

<pallas_src>
import functools

import jax
import jax.numpy as jnp
from jax import lax
from jax.experimental import pallas as pl
from jax.experimental.pallas import tpu as pltpu
from jax.experimental.pallas import tpu_sc as plsc

NC = 2
NS = 16
CH = 128
CW = 64


def _sc_typed_segment_sums(tbl_q0, tbl_q1, srcp2, sidxp, zeros, rows_total,
                           chunks):
    slab = rows_total // NS
    epw = chunks * CH
    mesh = plsc.VectorSubcoreMesh(core_axis_name="c", subcore_axis_name="s",
                                  num_cores=NC, num_subcores=NS)

    @functools.partial(
        pl.kernel,
        out_type=jax.ShapeDtypeStruct((NC, 2, rows_total, CW), jnp.float32),
        mesh=mesh,
        scratch_types=[
            pltpu.VMEM((epw,), jnp.int32),
            pltpu.VMEM((chunks, CH), jnp.int32),
            pltpu.VMEM((CH, CW), jnp.float32),
            pltpu.VMEM_SHARED((rows_total, CW), jnp.float32),
            pltpu.SemaphoreType.DMA,
        ],
        compiler_params=pltpu.CompilerParams(use_tc_tiling_on_sc=False),
    )
    def k(t0_hbm, t1_hbm, srcp2_hbm, sidxp_hbm, zeros_hbm, out_hbm,
          src_v, sidx_v, buf, acc, sem):
        cid = lax.axis_index("c")
        sid = lax.axis_index("s")
        pltpu.sync_copy(srcp2_hbm.at[cid, sid], src_v)
        pltpu.sync_copy(sidxp_hbm.at[sid], sidx_v)
        for q, tbl in ((0, t0_hbm), (1, t1_hbm)):
            pltpu.sync_copy(zeros_hbm, acc.at[pl.ds(sid * slab, slab)])
            plsc.subcore_barrier()

            @pl.loop(0, chunks)
            def _(j):
                idx = src_v.at[pl.ds(j * CH, CH)]
                pltpu.async_copy(tbl.at[idx], buf, sem).wait()
                pltpu.sync_copy(buf, acc.at[sidx_v.at[j]], add=True)

            plsc.subcore_barrier()
            pltpu.sync_copy(acc.at[pl.ds(sid * slab, slab)],
                            out_hbm.at[cid, q, pl.ds(sid * slab, slab)])

    return k(tbl_q0, tbl_q1, srcp2, sidxp, zeros)


def _tc_dense(emb, hiou, ct0, ct1, WiouT, UiouT, biou, WfT, UfwT, fbias):
    n, d = emb.shape
    h = d
    bn = 2000
    grid = (n // bn,)

    def body(emb_r, hiou_r, ct0_r, ct1_r, wiouT, uiouT, biou_r, wfT, ufwT,
             fb_r, out_r):
        embv = emb_r[...]
        hiouv = hiou_r[...]
        x = jnp.dot(embv, wfT[...], preferred_element_type=jnp.float32)
        f = jnp.dot(hiouv, ufwT[...], preferred_element_type=jnp.float32)
        f = f + fb_r[...]
        s0 = jax.nn.sigmoid(x + f[:, :h])
        s1 = jax.nn.sigmoid(x + f[:, h:])
        c_cell = s0 * ct0_r[...] + s1 * ct1_r[...]
        iou = (jnp.dot(embv, wiouT[...], preferred_element_type=jnp.float32)
               + jnp.dot(hiouv, uiouT[...], preferred_element_type=jnp.float32)
               + biou_r[...])
        i = jax.nn.sigmoid(iou[:, :h])
        o = jax.nn.sigmoid(iou[:, h:2 * h])
        u = jnp.tanh(iou[:, 2 * h:])
        c_new = i * u + c_cell
        h_new = o * jnp.tanh(c_new)
        out_r[...] = jnp.concatenate([h_new, c_new], axis=1)

    return pl.pallas_call(
        body,
        grid=grid,
        in_specs=[
            pl.BlockSpec((bn, d), lambda i: (i, 0)),
            pl.BlockSpec((bn, 2 * h), lambda i: (i, 0)),
            pl.BlockSpec((bn, h), lambda i: (i, 0)),
            pl.BlockSpec((bn, h), lambda i: (i, 0)),
            pl.BlockSpec((d, 3 * h), lambda i: (0, 0)),
            pl.BlockSpec((2 * h, 3 * h), lambda i: (0, 0)),
            pl.BlockSpec((1, 3 * h), lambda i: (0, 0)),
            pl.BlockSpec((d, h), lambda i: (0, 0)),
            pl.BlockSpec((2 * h, 2 * h), lambda i: (0, 0)),
            pl.BlockSpec((1, 2 * h), lambda i: (0, 0)),
        ],
        out_specs=pl.BlockSpec((bn, 2 * h), lambda i: (i, 0)),
        out_shape=jax.ShapeDtypeStruct((n, 2 * h), jnp.float32),
    )(emb, hiou, ct0, ct1, WiouT, UiouT, biou, WfT, UfwT, fbias)


def kernel(emb, h, c, edge_index, type_n, W_iou, U_iou, b_iou, W_f, U_f_w,
           U_f_b, b_f):
    n, d = emb.shape
    hh = h.shape[1]
    e = edge_index.shape[1]
    src = edge_index[0]
    dst = edge_index[1]

    sidx = dst + n * jnp.take(type_n, src)

    chunks = -(-e // (NS * CH))
    ep = NS * chunks * CH
    pad = ep - e
    rows_total = -(-(2 * n + 1) // (NS * 8)) * (NS * 8)
    pad_rows = rows_total - 2 * n
    if pad:
        ar = jnp.arange(pad, dtype=jnp.int32)
        src_p = jnp.concatenate([src, ar % jnp.int32(min(n, 4096))])
        sidx_p = jnp.concatenate([sidx, 2 * n + (ar % jnp.int32(max(pad_rows, 1)))])
    else:
        src_p, sidx_p = src, sidx
    srcp = src_p.reshape(NS, chunks * CH)
    srcp2 = jnp.stack([srcp, srcp + n])
    sidxp = sidx_p.reshape(NS, chunks, CH)

    tbl_q0 = jnp.concatenate([h[:, :CW], c[:, :CW]], axis=0)
    tbl_q1 = jnp.concatenate([h[:, CW:], c[:, CW:]], axis=0)
    zeros = jnp.zeros((rows_total // NS, CW), jnp.float32)

    sums = _sc_typed_segment_sums(tbl_q0, tbl_q1, srcp2, sidxp, zeros,
                                  rows_total, chunks)

    ht0 = jnp.concatenate([sums[0, 0, :n], sums[0, 1, :n]], axis=1)
    ht1 = jnp.concatenate([sums[0, 0, n:2 * n], sums[0, 1, n:2 * n]], axis=1)
    ct0 = jnp.concatenate([sums[1, 0, :n], sums[1, 1, :n]], axis=1)
    ct1 = jnp.concatenate([sums[1, 0, n:2 * n], sums[1, 1, n:2 * n]], axis=1)
    hiou = jnp.concatenate([ht0, ht1], axis=1)

    fbias = U_f_b.reshape(1, 2 * hh) + jnp.concatenate([b_f, b_f], axis=1)
    return _tc_dense(emb, hiou, ct0, ct1, W_iou.T, U_iou.T, b_iou,
                     W_f.T, U_f_w.T, fbias)

# --- scband reference (transcript-rebuilt; emitter-appended) ---
"""Pipeline reference for scband-dep-tree-lstm-12343736009154 (READ-ONLY COPY).

The authoritative reference and input builder live on the scoring server;
editing this copy changes nothing except your own understanding.
"""

import jax, jax.numpy as jnp
import numpy as np

N = 10000
E = 320000
D = 128
H = 128


def setup_inputs(seed: int = 0) -> dict:
    key = jax.random.key(seed)
    ks = jax.random.split(key, 12)
    emb = jax.random.normal(ks[0], (N, D), dtype=jnp.float32)
    h = jax.random.normal(ks[1], (N, H), dtype=jnp.float32)
    c = jax.random.normal(ks[2], (N, H), dtype=jnp.float32)
    edge_index = jax.random.randint(ks[3], (2, E), 0, N, dtype=jnp.int32)
    type_n = jax.random.randint(ks[4], (N,), 0, 2, dtype=jnp.int32)
    s = 0.05
    W_iou = jax.random.normal(ks[5], (3 * H, D), dtype=jnp.float32) * s
    U_iou = jax.random.normal(ks[6], (3 * H, 2 * H), dtype=jnp.float32) * s
    b_iou = jnp.zeros((1, 3 * H), dtype=jnp.float32)
    W_f = jax.random.normal(ks[7], (H, D), dtype=jnp.float32) * s
    U_f_w = jax.random.normal(ks[8], (2 * H, 2 * H), dtype=jnp.float32) * s
    U_f_b = jnp.zeros((2 * H,), dtype=jnp.float32)
    b_f = jnp.zeros((1, H), dtype=jnp.float32)
    return {
        "emb": emb, "h": h, "c": c,
        "edge_index": edge_index, "type_n": type_n,
        "W_iou": W_iou, "U_iou": U_iou, "b_iou": b_iou,
        "W_f": W_f, "U_f_w": U_f_w, "U_f_b": U_f_b, "b_f": b_f,
    }


def reference(emb, h, c, edge_index, type_n, W_iou, U_iou, b_iou, W_f, U_f_w, U_f_b, b_f):
    src = edge_index[0]
    dst = edge_index[1]
    # message_func: each child (src) sends h, c, type_n to its parent (dst)
    h_child = jnp.take(h, src, axis=0)          # [E, H]
    c_child = jnp.take(c, src, axis=0)          # [E, H]
    t_child = jnp.take(type_n, src, axis=0)     # [E]
    # reduce_func: typed sums over children (masked sum over the mailbox dim)
    mask0 = (t_child == 0).astype(h.dtype)[:, None]
    mask1 = (t_child == 1).astype(h.dtype)[:, None]
    ht_0 = jax.ops.segment_sum(h_child * mask0, dst, num_segments=N)   # [N, H]
    ht_1 = jax.ops.segment_sum(h_child * mask1, dst, num_segments=N)   # [N, H]
    h_iou = jnp.concatenate((ht_0, ht_1), axis=1)                       # [N, 2H]
    # f = U_f(cat(ht_0, ht_1)).view(-1, 2, H); per-child select by child's type
    f = (h_iou @ U_f_w.T + U_f_b).reshape(N, 2, H)                      # [N, 2, H]
    f_cell = f[dst, t_child, :]                                         # [E, H]
    X = emb @ W_f.T                                                     # [N, H]
    f_tk = jax.nn.sigmoid(jnp.take(X, dst, axis=0) + f_cell + b_f)      # [E, H]
    c_cell = jax.ops.segment_sum(f_tk * c_child, dst, num_segments=N)   # [N, H]
    # apply_node_func
    iou = emb @ W_iou.T + h_iou @ U_iou.T + b_iou                       # [N, 3H]
    i, o, u = jnp.split(iou, 3, axis=1)
    i = jax.nn.sigmoid(i)
    o = jax.nn.sigmoid(o)
    u = jnp.tanh(u)
    c_new = i * u + c_cell
    h_new = o * jnp.tanh(c_new)
    return jnp.concatenate((h_new, c_new), axis=1)                      # [N, 2H]

if __name__ == "__main__":
    import jax
    _d = setup_inputs()
    print(jax.jit(kernel)(*tuple(_d.values())))

</pallas_src>

<mosaic_0001>
#map = affine_map<(d0, d1) -> (0, 0)>
#map1 = affine_map<(d0, d1) -> (0, 0, 0)>
#map2 = affine_map<(d0, d1) -> (0, 0, 0, 0)>
module attributes {stable_mosaic.version = 14 : i64} {
  func.func @k(%arg0: i32, %arg1: i32, %arg2: memref<20000x64xf32, #tpu.memory_space<hbm>>, %arg3: memref<20000x64xf32, #tpu.memory_space<hbm>>, %arg4: memref<2x16x20096xi32, #tpu.memory_space<hbm>>, %arg5: memref<16x157x128xi32, #tpu.memory_space<hbm>>, %arg6: memref<1256x64xf32, #tpu.memory_space<hbm>>, %arg7: memref<2x2x20096x64xf32, #tpu.memory_space<hbm>>, %arg8: memref<20096xi32, #tpu.memory_space<vmem>>, %arg9: memref<157x128xi32, #tpu.memory_space<vmem>>, %arg10: memref<128x64xf32, #tpu.memory_space<vmem>>, %arg11: memref<20096x64xf32, #tpu.memory_space<vmem_shared>>, %arg12: memref<!tpu.dma_semaphore, #tpu.memory_space<semaphore_mem>>) attributes {dimension_semantics = [#tpu.dimension_semantics<core_parallel>, #tpu.dimension_semantics<subcore_parallel>], iteration_bounds = array<i64: 2, 16>, scalar_prefetch = 0 : i64, scratch_operands = 5 : i64, tpu.core_type = #tpu.core_type<sc_vector_subcore>, window_params = [{transform_indices = #map}, {transform_indices = #map}, {transform_indices = #map1}, {transform_indices = #map1}, {transform_indices = #map}, {transform_indices = #map2}]} {
    "tpu.region"() ({
      %run_scoped3A_24 = tpu.sem_alloc : memref<!tpu.dma_semaphore, #tpu.memory_space<semaphore_mem>>
      %dma_start3A = arith.constant 0 : i32
      %dma_start3A_25 = tpu.memref_slice %arg4[%arg0, %arg1, %dma_start3A] : memref<2x16x20096xi32, #tpu.memory_space<hbm>> -> memref<1x1x20096xi32, #tpu.memory_space<hbm>>
      %dma_start3A_26 = tpu.memref_squeeze %dma_start3A_25 : memref<1x1x20096xi32, #tpu.memory_space<hbm>> -> memref<20096xi32, #tpu.memory_space<hbm>>
      %dma_start3A_27 = arith.constant 0 : i32
      %dma_start3A_28 = tpu.memref_slice %arg4[%arg0, %arg1, %dma_start3A_27] : memref<2x16x20096xi32, #tpu.memory_space<hbm>> -> memref<1x1x20096xi32, #tpu.memory_space<hbm>>
      %dma_start3A_29 = tpu.memref_squeeze %dma_start3A_28 : memref<1x1x20096xi32, #tpu.memory_space<hbm>> -> memref<20096xi32, #tpu.memory_space<hbm>>
      tpu.enqueue_dma source(%dma_start3A_29 : memref<20096xi32, #tpu.memory_space<hbm>>) target(%arg8 : memref<20096xi32, #tpu.memory_space<vmem>>) target_semaphore(%run_scoped3A_24 : memref<!tpu.dma_semaphore, #tpu.memory_space<semaphore_mem>>)
      %dma_wait3A = arith.constant 0 : i32
      %dma_wait3A_30 = tpu.memref_slice %arg4[%arg0, %arg1, %dma_wait3A] : memref<2x16x20096xi32, #tpu.memory_space<hbm>> -> memref<1x1x20096xi32, #tpu.memory_space<hbm>>
      %dma_wait3A_31 = tpu.memref_squeeze %dma_wait3A_30 : memref<1x1x20096xi32, #tpu.memory_space<hbm>> -> memref<20096xi32, #tpu.memory_space<hbm>>
      %dma_wait3A_32 = arith.constant 0 : i32
      %dma_wait3A_33 = tpu.memref_slice %arg4[%arg0, %arg1, %dma_wait3A_32] : memref<2x16x20096xi32, #tpu.memory_space<hbm>> -> memref<1x1x20096xi32, #tpu.memory_space<hbm>>
      %dma_wait3A_34 = tpu.memref_squeeze %dma_wait3A_33 : memref<1x1x20096xi32, #tpu.memory_space<hbm>> -> memref<20096xi32, #tpu.memory_space<hbm>>
      tpu.wait_dma2 semaphore(%run_scoped3A_24 : memref<!tpu.dma_semaphore, #tpu.memory_space<semaphore_mem>>) src(%dma_wait3A_34 : memref<20096xi32, #tpu.memory_space<hbm>>) dst(%arg8 : memref<20096xi32, #tpu.memory_space<vmem>>)
      tpu.yield
    }) : () -> ()
    "tpu.region"() ({
      %run_scoped3A_24 = tpu.sem_alloc : memref<!tpu.dma_semaphore, #tpu.memory_space<semaphore_mem>>
      %dma_start3A = arith.constant 0 : i32
      %dma_start3A_25 = arith.constant 0 : i32
      %dma_start3A_26 = tpu.memref_slice %arg5[%arg1, %dma_start3A, %dma_start3A_25] : memref<16x157x128xi32, #tpu.memory_space<hbm>> -> memref<1x157x128xi32, #tpu.memory_space<hbm>>
      %dma_start3A_27 = tpu.memref_squeeze %dma_start3A_26 : memref<1x157x128xi32, #tpu.memory_space<hbm>> -> memref<157x128xi32, #tpu.memory_space<hbm>>
      %dma_start3A_28 = arith.constant 0 : i32
      %dma_start3A_29 = arith.constant 0 : i32
      %dma_start3A_30 = tpu.memref_slice %arg5[%arg1, %dma_start3A_28, %dma_start3A_29] : memref<16x157x128xi32, #tpu.memory_space<hbm>> -> memref<1x157x128xi32, #tpu.memory_space<hbm>>
      %dma_start3A_31 = tpu.memref_squeeze %dma_start3A_30 : memref<1x157x128xi32, #tpu.memory_space<hbm>> -> memref<157x128xi32, #tpu.memory_space<hbm>>
      tpu.enqueue_dma source(%dma_start3A_31 : memref<157x128xi32, #tpu.memory_space<hbm>>) target(%arg9 : memref<157x128xi32, #tpu.memory_space<vmem>>) target_semaphore(%run_scoped3A_24 : memref<!tpu.dma_semaphore, #tpu.memory_space<semaphore_mem>>)
      %dma_wait3A = arith.constant 0 : i32
      %dma_wait3A_32 = arith.constant 0 : i32
      %dma_wait3A_33 = tpu.memref_slice %arg5[%arg1, %dma_wait3A, %dma_wait3A_32] : memref<16x157x128xi32, #tpu.memory_space<hbm>> -> memref<1x157x128xi32, #tpu.memory_space<hbm>>
      %dma_wait3A_34 = tpu.memref_squeeze %dma_wait3A_33 : memref<1x157x128xi32, #tpu.memory_space<hbm>> -> memref<157x128xi32, #tpu.memory_space<hbm>>
      %dma_wait3A_35 = arith.constant 0 : i32
      %dma_wait3A_36 = arith.constant 0 : i32
      %dma_wait3A_37 = tpu.memref_slice %arg5[%arg1, %dma_wait3A_35, %dma_wait3A_36] : memref<16x157x128xi32, #tpu.memory_space<hbm>> -> memref<1x157x128xi32, #tpu.memory_space<hbm>>
      %dma_wait3A_38 = tpu.memref_squeeze %dma_wait3A_37 : memref<1x157x128xi32, #tpu.memory_space<hbm>> -> memref<157x128xi32, #tpu.memory_space<hbm>>
      tpu.wait_dma2 semaphore(%run_scoped3A_24 : memref<!tpu.dma_semaphore, #tpu.memory_space<semaphore_mem>>) src(%dma_wait3A_38 : memref<157x128xi32, #tpu.memory_space<hbm>>) dst(%arg9 : memref<157x128xi32, #tpu.memory_space<vmem>>)
      tpu.yield
    }) : () -> ()
    %mul3A = arith.constant 1256 : i32
    %mul3A_0 = arith.muli %arg1, %mul3A : i32
    "tpu.region"() ({
      %run_scoped3A_24 = tpu.sem_alloc : memref<!tpu.dma_semaphore, #tpu.memory_space<semaphore_mem>>
      %dma_start3A = arith.constant 0 : i32
      %dma_start3A_25 = tpu.memref_slice %arg11[%mul3A_0, %dma_start3A] : memref<20096x64xf32, #tpu.memory_space<vmem_shared>> -> memref<1256x64xf32, #tpu.memory_space<vmem_shared>>
      tpu.enqueue_dma source(%arg6 : memref<1256x64xf32, #tpu.memory_space<hbm>>) target(%dma_start3A_25 : memref<1256x64xf32, #tpu.memory_space<vmem_shared>>) target_semaphore(%run_scoped3A_24 : memref<!tpu.dma_semaphore, #tpu.memory_space<semaphore_mem>>)
      %dma_wait3A = arith.constant 0 : i32
      %dma_wait3A_26 = tpu.memref_slice %arg11[%mul3A_0, %dma_wait3A] : memref<20096x64xf32, #tpu.memory_space<vmem_shared>> -> memref<1256x64xf32, #tpu.memory_space<vmem_shared>>
      tpu.wait_dma2 semaphore(%run_scoped3A_24 : memref<!tpu.dma_semaphore, #tpu.memory_space<semaphore_mem>>) src(%arg6 : memref<1256x64xf32, #tpu.memory_space<hbm>>) dst(%dma_wait3A_26 : memref<1256x64xf32, #tpu.memory_space<vmem_shared>>)
      tpu.yield
    }) : () -> ()
    %barrier3A = arith.constant 0 : index
    tpu.barrier barrier_id(%barrier3A)
    %scan3A = arith.constant 0 : i32
    %scan3A_1 = arith.constant 157 : i32
    %scan3A_2 = arith.addi %scan3A, %scan3A_1 : i32
    %scan3A_3 = arith.constant 1 : i32
    scf.for %scan3A_24 = %scan3A to %scan3A_2 step %scan3A_3  : i32 {
      %mul3A_25 = arith.constant 1 : i32
      %mul3A_26 = arith.muli %scan3A_24, %mul3A_25 : i32
      %add3A = arith.constant 0 : i32
      %add3A_27 = arith.addi %add3A, %mul3A_26 : i32
      %mul3A_28 = arith.constant 128 : i32
      %mul3A_29 = arith.muli %add3A_27, %mul3A_28 : i32
      %dma_start3A = tpu.memref_slice %arg8[%mul3A_29] : memref<20096xi32, #tpu.memory_space<vmem>> -> memref<128xi32, #tpu.memory_space<vmem>>
      %dma_start3A_30 = arith.constant 0 : i32
      %dma_start3A_31 = arith.constant 0 : i32
      %dma_start3A_32 = tpu.memref_slice %arg2[%dma_start3A_30, %dma_start3A_31] : memref<20000x64xf32, #tpu.memory_space<hbm>> -> memref<20000x64xf32, #tpu.memory_space<hbm>>
      tpu.enqueue_indirect_dma source(%dma_start3A_32 : memref<20000x64xf32, #tpu.memory_space<hbm>>) target(%arg10 : memref<128x64xf32, #tpu.memory_space<vmem>>) offsets(%dma_start3A : memref<128xi32, #tpu.memory_space<vmem>>) semaphore(%arg12 : memref<!tpu.dma_semaphore, #tpu.memory_space<semaphore_mem>>)
      %dma_wait3A = tpu.memref_slice %arg8[%mul3A_29] : memref<20096xi32, #tpu.memory_space<vmem>> -> memref<128xi32, #tpu.memory_space<vmem>>
      %dma_wait3A_33 = arith.constant 0 : i32
      %dma_wait3A_34 = arith.constant 0 : i32
      %dma_wait3A_35 = tpu.memref_slice %arg2[%dma_wait3A_33, %dma_wait3A_34] : memref<20000x64xf32, #tpu.memory_space<hbm>> -> memref<20000x64xf32, #tpu.memory_space<hbm>>
      tpu.wait_indirect_dma semaphore(%arg12 : memref<!tpu.dma_semaphore, #tpu.memory_space<semaphore_mem>>) src(%dma_wait3A_35 : memref<20000x64xf32, #tpu.memory_space<hbm>>) dst(%arg10 : memref<128x64xf32, #tpu.memory_space<vmem>>)
      "tpu.region"() ({
        %run_scoped3A_36 = tpu.sem_alloc : memref<!tpu.dma_semaphore, #tpu.memory_space<semaphore_mem>>
        %dma_start3A_37 = arith.constant 0 : i32
        %dma_start3A_38 = tpu.memref_slice %arg9[%add3A_27, %dma_start3A_37] : memref<157x128xi32, #tpu.memory_space<vmem>> -> memref<1x128xi32, #tpu.memory_space<vmem>>
        %dma_start3A_39 = tpu.memref_squeeze %dma_start3A_38 : memref<1x128xi32, #tpu.memory_space<vmem>> -> memref<128xi32, #tpu.memory_space<vmem>>
        %dma_start3A_40 = arith.constant 0 : i32
        %dma_start3A_41 = arith.constant 0 : i32
        %dma_start3A_42 = tpu.memref_slice %arg11[%dma_start3A_40, %dma_start3A_41] : memref<20096x64xf32, #tpu.memory_space<vmem_shared>> -> memref<20096x64xf32, #tpu.memory_space<vmem_shared>>
        tpu.enqueue_indirect_dma source(%arg10 : memref<128x64xf32, #tpu.memory_space<vmem>>) target(%dma_start3A_42 : memref<20096x64xf32, #tpu.memory_space<vmem_shared>>) offsets(%dma_start3A_39 : memref<128xi32, #tpu.memory_space<vmem>>) semaphore(%run_scoped3A_36 : memref<!tpu.dma_semaphore, #tpu.memory_space<semaphore_mem>>) {add = true}
        %dma_wait3A_43 = arith.constant 0 : i32
        %dma_wait3A_44 = tpu.memref_slice %arg9[%add3A_27, %dma_wait3A_43] : memref<157x128xi32, #tpu.memory_space<vmem>> -> memref<1x128xi32, #tpu.memory_space<vmem>>
        %dma_wait3A_45 = tpu.memref_squeeze %dma_wait3A_44 : memref<1x128xi32, #tpu.memory_space<vmem>> -> memref<128xi32, #tpu.memory_space<vmem>>
        %dma_wait3A_46 = arith.constant 0 : i32
        %dma_wait3A_47 = arith.constant 0 : i32
        %dma_wait3A_48 = tpu.memref_slice %arg11[%dma_wait3A_46, %dma_wait3A_47] : memref<20096x64xf32, #tpu.memory_space<vmem_shared>> -> memref<20096x64xf32, #tpu.memory_space<vmem_shared>>
        tpu.wait_indirect_dma semaphore(%run_scoped3A_36 : memref<!tpu.dma_semaphore, #tpu.memory_space<semaphore_mem>>) src(%arg10 : memref<128x64xf32, #tpu.memory_space<vmem>>) dst(%dma_wait3A_48 : memref<20096x64xf32, #tpu.memory_space<vmem_shared>>)
        tpu.yield
      }) : () -> ()
    }
    %scan3A_4 = arith.constant 157 : i32
    %barrier3A_5 = arith.constant 0 : index
    tpu.barrier barrier_id(%barrier3A_5)
    %mul3A_6 = arith.constant 1256 : i32
    %mul3A_7 = arith.muli %arg1, %mul3A_6 : i32
    %mul3A_8 = arith.constant 1256 : i32
    %mul3A_9 = arith.muli %arg1, %mul3A_8 : i32
    %run_scoped3A = arith.constant 0 : i32
    "tpu.region"() ({
      %run_scoped3A_24 = tpu.sem_alloc : memref<!tpu.dma_semaphore, #tpu.memory_space<semaphore_mem>>
      %dma_start3A = arith.constant 0 : i32
      %dma_start3A_25 = tpu.memref_slice %arg7[%arg0, %run_scoped3A, %mul3A_9, %dma_start3A] : memref<2x2x20096x64xf32, #tpu.memory_space<hbm>> -> memref<1x1x1256x64xf32, #tpu.memory_space<hbm>>
      %dma_start3A_26 = tpu.memref_squeeze %dma_start3A_25 : memref<1x1x1256x64xf32, #tpu.memory_space<hbm>> -> memref<1256x64xf32, #tpu.memory_space<hbm>>
      %dma_start3A_27 = arith.constant 0 : i32
      %dma_start3A_28 = tpu.memref_slice %arg11[%mul3A_7, %dma_start3A_27] : memref<20096x64xf32, #tpu.memory_space<vmem_shared>> -> memref<1256x64xf32, #tpu.memory_space<vmem_shared>>
      tpu.enqueue_dma source(%dma_start3A_28 : memref<1256x64xf32, #tpu.memory_space<vmem_shared>>) target(%dma_start3A_26 : memref<1256x64xf32, #tpu.memory_space<hbm>>) target_semaphore(%run_scoped3A_24 : memref<!tpu.dma_semaphore, #tpu.memory_space<semaphore_mem>>)
      %dma_wait3A = arith.constant 0 : i32
      %dma_wait3A_29 = tpu.memref_slice %arg7[%arg0, %run_scoped3A, %mul3A_9, %dma_wait3A] : memref<2x2x20096x64xf32, #tpu.memory_space<hbm>> -> memref<1x1x1256x64xf32, #tpu.memory_space<hbm>>
      %dma_wait3A_30 = tpu.memref_squeeze %dma_wait3A_29 : memref<1x1x1256x64xf32, #tpu.memory_space<hbm>> -> memref<1256x64xf32, #tpu.memory_space<hbm>>
      %dma_wait3A_31 = arith.constant 0 : i32
      %dma_wait3A_32 = tpu.memref_slice %arg11[%mul3A_7, %dma_wait3A_31] : memref<20096x64xf32, #tpu.memory_space<vmem_shared>> -> memref<1256x64xf32, #tpu.memory_space<vmem_shared>>
      tpu.wait_dma2 semaphore(%run_scoped3A_24 : memref<!tpu.dma_semaphore, #tpu.memory_space<semaphore_mem>>) src(%dma_wait3A_32 : memref<1256x64xf32, #tpu.memory_space<vmem_shared>>) dst(%dma_wait3A_30 : memref<1256x64xf32, #tpu.memory_space<hbm>>)
      tpu.yield
    }) : () -> ()
    %mul3A_10 = arith.constant 1256 : i32
    %mul3A_11 = arith.muli %arg1, %mul3A_10 : i32
    "tpu.region"() ({
      %run_scoped3A_24 = tpu.sem_alloc : memref<!tpu.dma_semaphore, #tpu.memory_space<semaphore_mem>>
      %dma_start3A = arith.constant 0 : i32
      %dma_start3A_25 = tpu.memref_slice %arg11[%mul3A_11, %dma_start3A] : memref<20096x64xf32, #tpu.memory_space<vmem_shared>> -> memref<1256x64xf32, #tpu.memory_space<vmem_shared>>
      tpu.enqueue_dma source(%arg6 : memref<1256x64xf32, #tpu.memory_space<hbm>>) target(%dma_start3A_25 : memref<1256x64xf32, #tpu.memory_space<vmem_shared>>) target_semaphore(%run_scoped3A_24 : memref<!tpu.dma_semaphore, #tpu.memory_space<semaphore_mem>>)
      %dma_wait3A = arith.constant 0 : i32
      %dma_wait3A_26 = tpu.memref_slice %arg11[%mul3A_11, %dma_wait3A] : memref<20096x64xf32, #tpu.memory_space<vmem_shared>> -> memref<1256x64xf32, #tpu.memory_space<vmem_shared>>
      tpu.wait_dma2 semaphore(%run_scoped3A_24 : memref<!tpu.dma_semaphore, #tpu.memory_space<semaphore_mem>>) src(%arg6 : memref<1256x64xf32, #tpu.memory_space<hbm>>) dst(%dma_wait3A_26 : memref<1256x64xf32, #tpu.memory_space<vmem_shared>>)
      tpu.yield
    }) : () -> ()
    %barrier3A_12 = arith.constant 0 : index
    tpu.barrier barrier_id(%barrier3A_12)
    %scan3A_13 = arith.constant 0 : i32
    %scan3A_14 = arith.constant 157 : i32
    %scan3A_15 = arith.addi %scan3A_13, %scan3A_14 : i32
    %scan3A_16 = arith.constant 1 : i32
    scf.for %scan3A_24 = %scan3A_13 to %scan3A_15 step %scan3A_16  : i32 {
      %mul3A_25 = arith.constant 1 : i32
      %mul3A_26 = arith.muli %scan3A_24, %mul3A_25 : i32
      %add3A = arith.constant 0 : i32
      %add3A_27 = arith.addi %add3A, %mul3A_26 : i32
      %mul3A_28 = arith.constant 128 : i32
      %mul3A_29 = arith.muli %add3A_27, %mul3A_28 : i32
      %dma_start3A = tpu.memref_slice %arg8[%mul3A_29] : memref<20096xi32, #tpu.memory_space<vmem>> -> memref<128xi32, #tpu.memory_space<vmem>>
      %dma_start3A_30 = arith.constant 0 : i32
      %dma_start3A_31 = arith.constant 0 : i32
      %dma_start3A_32 = tpu.memref_slice %arg3[%dma_start3A_30, %dma_start3A_31] : memref<20000x64xf32, #tpu.memory_space<hbm>> -> memref<20000x64xf32, #tpu.memory_space<hbm>>
      tpu.enqueue_indirect_dma source(%dma_start3A_32 : memref<20000x64xf32, #tpu.memory_space<hbm>>) target(%arg10 : memref<128x64xf32, #tpu.memory_space<vmem>>) offsets(%dma_start3A : memref<128xi32, #tpu.memory_space<vmem>>) semaphore(%arg12 : memref<!tpu.dma_semaphore, #tpu.memory_space<semaphore_mem>>)
      %dma_wait3A = tpu.memref_slice %arg8[%mul3A_29] : memref<20096xi32, #tpu.memory_space<vmem>> -> memref<128xi32, #tpu.memory_space<vmem>>
      %dma_wait3A_33 = arith.constant 0 : i32
      %dma_wait3A_34 = arith.constant 0 : i32
      %dma_wait3A_35 = tpu.memref_slice %arg3[%dma_wait3A_33, %dma_wait3A_34] : memref<20000x64xf32, #tpu.memory_space<hbm>> -> memref<20000x64xf32, #tpu.memory_space<hbm>>
      tpu.wait_indirect_dma semaphore(%arg12 : memref<!tpu.dma_semaphore, #tpu.memory_space<semaphore_mem>>) src(%dma_wait3A_35 : memref<20000x64xf32, #tpu.memory_space<hbm>>) dst(%arg10 : memref<128x64xf32, #tpu.memory_space<vmem>>)
      "tpu.region"() ({
        %run_scoped3A_36 = tpu.sem_alloc : memref<!tpu.dma_semaphore, #tpu.memory_space<semaphore_mem>>
        %dma_start3A_37 = arith.constant 0 : i32
        %dma_start3A_38 = tpu.memref_slice %arg9[%add3A_27, %dma_start3A_37] : memref<157x128xi32, #tpu.memory_space<vmem>> -> memref<1x128xi32, #tpu.memory_space<vmem>>
        %dma_start3A_39 = tpu.memref_squeeze %dma_start3A_38 : memref<1x128xi32, #tpu.memory_space<vmem>> -> memref<128xi32, #tpu.memory_space<vmem>>
        %dma_start3A_40 = arith.constant 0 : i32
        %dma_start3A_41 = arith.constant 0 : i32
        %dma_start3A_42 = tpu.memref_slice %arg11[%dma_start3A_40, %dma_start3A_41] : memref<20096x64xf32, #tpu.memory_space<vmem_shared>> -> memref<20096x64xf32, #tpu.memory_space<vmem_shared>>
        tpu.enqueue_indirect_dma source(%arg10 : memref<128x64xf32, #tpu.memory_space<vmem>>) target(%dma_start3A_42 : memref<20096x64xf32, #tpu.memory_space<vmem_shared>>) offsets(%dma_start3A_39 : memref<128xi32, #tpu.memory_space<vmem>>) semaphore(%run_scoped3A_36 : memref<!tpu.dma_semaphore, #tpu.memory_space<semaphore_mem>>) {add = true}
        %dma_wait3A_43 = arith.constant 0 : i32
        %dma_wait3A_44 = tpu.memref_slice %arg9[%add3A_27, %dma_wait3A_43] : memref<157x128xi32, #tpu.memory_space<vmem>> -> memref<1x128xi32, #tpu.memory_space<vmem>>
        %dma_wait3A_45 = tpu.memref_squeeze %dma_wait3A_44 : memref<1x128xi32, #tpu.memory_space<vmem>> -> memref<128xi32, #tpu.memory_space<vmem>>
        %dma_wait3A_46 = arith.constant 0 : i32
        %dma_wait3A_47 = arith.constant 0 : i32
        %dma_wait3A_48 = tpu.memref_slice %arg11[%dma_wait3A_46, %dma_wait3A_47] : memref<20096x64xf32, #tpu.memory_space<vmem_shared>> -> memref<20096x64xf32, #tpu.memory_space<vmem_shared>>
        tpu.wait_indirect_dma semaphore(%run_scoped3A_36 : memref<!tpu.dma_semaphore, #tpu.memory_space<semaphore_mem>>) src(%arg10 : memref<128x64xf32, #tpu.memory_space<vmem>>) dst(%dma_wait3A_48 : memref<20096x64xf32, #tpu.memory_space<vmem_shared>>)
        tpu.yield
      }) : () -> ()
    }
    %scan3A_17 = arith.constant 157 : i32
    %barrier3A_18 = arith.constant 0 : index
    tpu.barrier barrier_id(%barrier3A_18)
    %mul3A_19 = arith.constant 1256 : i32
    %mul3A_20 = arith.muli %arg1, %mul3A_19 : i32
    %mul3A_21 = arith.constant 1256 : i32
    %mul3A_22 = arith.muli %arg1, %mul3A_21 : i32
    %run_scoped3A_23 = arith.constant 1 : i32
    "tpu.region"() ({
      %run_scoped3A_24 = tpu.sem_alloc : memref<!tpu.dma_semaphore, #tpu.memory_space<semaphore_mem>>
      %dma_start3A = arith.constant 0 : i32
      %dma_start3A_25 = tpu.memref_slice %arg7[%arg0, %run_scoped3A_23, %mul3A_22, %dma_start3A] : memref<2x2x20096x64xf32, #tpu.memory_space<hbm>> -> memref<1x1x1256x64xf32, #tpu.memory_space<hbm>>
      %dma_start3A_26 = tpu.memref_squeeze %dma_start3A_25 : memref<1x1x1256x64xf32, #tpu.memory_space<hbm>> -> memref<1256x64xf32, #tpu.memory_space<hbm>>
      %dma_start3A_27 = arith.constant 0 : i32
      %dma_start3A_28 = tpu.memref_slice %arg11[%mul3A_20, %dma_start3A_27] : memref<20096x64xf32, #tpu.memory_space<vmem_shared>> -> memref<1256x64xf32, #tpu.memory_space<vmem_shared>>
      tpu.enqueue_dma source(%dma_start3A_28 : memref<1256x64xf32, #tpu.memory_space<vmem_shared>>) target(%dma_start3A_26 : memref<1256x64xf32, #tpu.memory_space<hbm>>) target_semaphore(%run_scoped3A_24 : memref<!tpu.dma_semaphore, #tpu.memory_space<semaphore_mem>>)
      %dma_wait3A = arith.constant 0 : i32
      %dma_wait3A_29 = tpu.memref_slice %arg7[%arg0, %run_scoped3A_23, %mul3A_22, %dma_wait3A] : memref<2x2x20096x64xf32, #tpu.memory_space<hbm>> -> memref<1x1x1256x64xf32, #tpu.memory_space<hbm>>
      %dma_wait3A_30 = tpu.memref_squeeze %dma_wait3A_29 : memref<1x1x1256x64xf32, #tpu.memory_space<hbm>> -> memref<1256x64xf32, #tpu.memory_space<hbm>>
      %dma_wait3A_31 = arith.constant 0 : i32
      %dma_wait3A_32 = tpu.memref_slice %arg11[%mul3A_20, %dma_wait3A_31] : memref<20096x64xf32, #tpu.memory_space<vmem_shared>> -> memref<1256x64xf32, #tpu.memory_space<vmem_shared>>
      tpu.wait_dma2 semaphore(%run_scoped3A_24 : memref<!tpu.dma_semaphore, #tpu.memory_space<semaphore_mem>>) src(%dma_wait3A_32 : memref<1256x64xf32, #tpu.memory_space<vmem_shared>>) dst(%dma_wait3A_30 : memref<1256x64xf32, #tpu.memory_space<hbm>>)
      tpu.yield
    }) : () -> ()
    return
  }
}

module attributes {stable_mosaic.version = 14 : i64} {
  func.func @body(%arg0: i32, %arg1: memref<2000x128xf32, #tpu.memory_space<vmem>>, %arg2: memref<2000x256xf32, #tpu.memory_space<vmem>>, %arg3: memref<2000x128xf32, #tpu.memory_space<vmem>>, %arg4: memref<2000x128xf32, #tpu.memory_space<vmem>>, %arg5: memref<128x384xf32, #tpu.memory_space<vmem>>, %arg6: memref<256x384xf32, #tpu.memory_space<vmem>>, %arg7: memref<1x384xf32, #tpu.memory_space<vmem>>, %arg8: memref<128x128xf32, #tpu.memory_space<vmem>>, %arg9: memref<256x256xf32, #tpu.memory_space<vmem>>, %arg10: memref<1x256xf32, #tpu.memory_space<vmem>>, %arg11: memref<2000x256xf32, #tpu.memory_space<vmem>>) attributes {dimension_semantics = [#tpu.dimension_semantics<arbitrary>], iteration_bounds = array<i64: 5>, scalar_prefetch = 0 : i64, scratch_operands = 0 : i64, tpu.core_type = #tpu.core_type<tc>, window_params = [{transform_indices = @transform_0, window_bounds = array<i64: 2000, 128>}, {transform_indices = @transform_1, window_bounds = array<i64: 2000, 256>}, {transform_indices = @transform_2, window_bounds = array<i64: 2000, 128>}, {transform_indices = @transform_3, window_bounds = array<i64: 2000, 128>}, {pipeline_mode = #tpu.pipeline_mode<synchronous>, transform_indices = @transform_4, window_bounds = array<i64: 128, 384>}, {pipeline_mode = #tpu.pipeline_mode<synchronous>, transform_indices = @transform_5, window_bounds = array<i64: 256, 384>}, {pipeline_mode = #tpu.pipeline_mode<synchronous>, transform_indices = @transform_6, window_bounds = array<i64: 1, 384>}, {pipeline_mode = #tpu.pipeline_mode<synchronous>, transform_indices = @transform_7, window_bounds = array<i64: 128, 128>}, {pipeline_mode = #tpu.pipeline_mode<synchronous>, transform_indices = @transform_8, window_bounds = array<i64: 256, 256>}, {pipeline_mode = #tpu.pipeline_mode<synchronous>, transform_indices = @transform_9, window_bounds = array<i64: 1, 256>}, {transform_indices = @transform_10, window_bounds = array<i64: 2000, 256>}]} {
    %get3A = arith.constant 0 : index
    %get3A_0 = arith.constant 0 : index
    %get3A_1 = vector.load %arg1[%get3A, %get3A_0] : memref<2000x128xf32, #tpu.memory_space<vmem>>, vector<2000x128xf32>
    %get3A_2 = arith.constant 0 : index
    %get3A_3 = arith.constant 0 : index
    %get3A_4 = vector.load %arg2[%get3A_2, %get3A_3] : memref<2000x256xf32, #tpu.memory_space<vmem>>, vector<2000x256xf32>
    %get3A_5 = arith.constant 0 : index
    %get3A_6 = arith.constant 0 : index
    %get3A_7 = vector.load %arg8[%get3A_5, %get3A_6] : memref<128x128xf32, #tpu.memory_space<vmem>>, vector<128x128xf32>
    %dot_general3A = arith.constant dense<0.000000e+00> : vector<2000x128xf32>
    %dot_general3A_8 = tpu.matmul %get3A_1, %get3A_7, %dot_general3A {dimension_numbers = #tpu.dot_dimension_numbers<[1], [0], [0], [1], [0, 0, 1, 1], [], []>, transpose_lhs_hint = false} : vector<2000x128xf32>, vector<128x128xf32>, vector<2000x128xf32> -> vector<2000x128xf32>
    %get3A_9 = arith.constant 0 : index
    %get3A_10 = arith.constant 0 : index
    %get3A_11 = vector.load %arg9[%get3A_9, %get3A_10] : memref<256x256xf32, #tpu.memory_space<vmem>>, vector<256x256xf32>
    %dot_general3A_12 = arith.constant dense<0.000000e+00> : vector<2000x256xf32>
    %dot_general3A_13 = tpu.matmul %get3A_4, %get3A_11, %dot_general3A_12 {dimension_numbers = #tpu.dot_dimension_numbers<[1], [0], [0], [1], [0, 0, 1, 1], [], []>, transpose_lhs_hint = false} : vector<2000x256xf32>, vector<256x256xf32>, vector<2000x256xf32> -> vector<2000x256xf32>
    %get3A_14 = arith.constant 0 : index
    %get3A_15 = arith.constant 0 : index
    %get3A_16 = vector.load %arg10[%get3A_14, %get3A_15] : memref<1x256xf32, #tpu.memory_space<vmem>>, vector<1x256xf32>
    %add3A = vector.broadcast %get3A_16 : vector<1x256xf32> to vector<2000x256xf32>
    %add3A_17 = arith.addf %dot_general3A_13, %add3A : vector<2000x256xf32>
    %slice3A = vector.extract_strided_slice %add3A_17 {offsets = [0, 0], sizes = [2000, 128], strides = [1, 1]} : vector<2000x256xf32> to vector<2000x128xf32>
    %add3A_18 = arith.addf %dot_general3A_8, %slice3A : vector<2000x128xf32>
    %logistic3A = arith.negf %add3A_18 : vector<2000x128xf32>
    %logistic3A_19 = math.exp %logistic3A : vector<2000x128xf32>
    %logistic3A_20 = arith.constant 1.000000e+00 : f32
    %logistic3A_21 = vector.broadcast %logistic3A_20 : f32 to vector<2000x128xf32>
    %logistic3A_22 = arith.addf %logistic3A_21, %logistic3A_19 : vector<2000x128xf32>
    %logistic3A_23 = arith.divf %logistic3A_21, %logistic3A_22 : vector<2000x128xf32>
    %slice3A_24 = vector.extract_strided_slice %add3A_17 {offsets = [0, 128], sizes = [2000, 128], strides = [1, 1]} : vector<2000x256xf32> to vector<2000x128xf32>
    %add3A_25 = arith.addf %dot_general3A_8, %slice3A_24 : vector<2000x128xf32>
    %logistic3A_26 = arith.negf %add3A_25 : vector<2000x128xf32>
    %logistic3A_27 = math.exp %logistic3A_26 : vector<2000x128xf32>
    %logistic3A_28 = arith.constant 1.000000e+00 : f32
    %logistic3A_29 = vector.broadcast %logistic3A_28 : f32 to vector<2000x128xf32>
    %logistic3A_30 = arith.addf %logistic3A_29, %logistic3A_27 : vector<2000x128xf32>
    %logistic3A_31 = arith.divf %logistic3A_29, %logistic3A_30 : vector<2000x128xf32>
    %get3A_32 = arith.constant 0 : index
    %get3A_33 = arith.constant 0 : index
    %get3A_34 = vector.load %arg3[%get3A_32, %get3A_33] : memref<2000x128xf32, #tpu.memory_space<vmem>>, vector<2000x128xf32>
    %mul3A = arith.mulf %logistic3A_23, %get3A_34 : vector<2000x128xf32>
    %get3A_35 = arith.constant 0 : index
    %get3A_36 = arith.constant 0 : index
    %get3A_37 = vector.load %arg4[%get3A_35, %get3A_36] : memref<2000x128xf32, #tpu.memory_space<vmem>>, vector<2000x128xf32>
    %mul3A_38 = arith.mulf %logistic3A_31, %get3A_37 : vector<2000x128xf32>
    %add3A_39 = arith.addf %mul3A, %mul3A_38 : vector<2000x128xf32>
    %get3A_40 = arith.constant 0 : index
    %get3A_41 = arith.constant 0 : index
    %get3A_42 = vector.load %arg5[%get3A_40, %get3A_41] : memref<128x384xf32, #tpu.memory_space<vmem>>, vector<128x384xf32>
    %dot_general3A_43 = arith.constant dense<0.000000e+00> : vector<2000x384xf32>
    %dot_general3A_44 = tpu.matmul %get3A_1, %get3A_42, %dot_general3A_43 {dimension_numbers = #tpu.dot_dimension_numbers<[1], [0], [0], [1], [0, 0, 1, 1], [], []>, transpose_lhs_hint = false} : vector<2000x128xf32>, vector<128x384xf32>, vector<2000x384xf32> -> vector<2000x384xf32>
    %get3A_45 = arith.constant 0 : index
    %get3A_46 = arith.constant 0 : index
    %get3A_47 = vector.load %arg6[%get3A_45, %get3A_46] : memref<256x384xf32, #tpu.memory_space<vmem>>, vector<256x384xf32>
    %dot_general3A_48 = arith.constant dense<0.000000e+00> : vector<2000x384xf32>
    %dot_general3A_49 = tpu.matmul %get3A_4, %get3A_47, %dot_general3A_48 {dimension_numbers = #tpu.dot_dimension_numbers<[1], [0], [0], [1], [0, 0, 1, 1], [], []>, transpose_lhs_hint = false} : vector<2000x256xf32>, vector<256x384xf32>, vector<2000x384xf32> -> vector<2000x384xf32>
    %add3A_50 = arith.addf %dot_general3A_44, %dot_general3A_49 : vector<2000x384xf32>
    %get3A_51 = arith.constant 0 : index
    %get3A_52 = arith.constant 0 : index
    %get3A_53 = vector.load %arg7[%get3A_51, %get3A_52] : memref<1x384xf32, #tpu.memory_space<vmem>>, vector<1x384xf32>
    %add3A_54 = vector.broadcast %get3A_53 : vector<1x384xf32> to vector<2000x384xf32>
    %add3A_55 = arith.addf %add3A_50, %add3A_54 : vector<2000x384xf32>
    %slice3A_56 = vector.extract_strided_slice %add3A_55 {offsets = [0, 0], sizes = [2000, 128], strides = [1, 1]} : vector<2000x384xf32> to vector<2000x128xf32>
    %logistic3A_57 = arith.negf %slice3A_56 : vector<2000x128xf32>
    %logistic3A_58 = math.exp %logistic3A_57 : vector<2000x128xf32>
    %logistic3A_59 = arith.constant 1.000000e+00 : f32
    %logistic3A_60 = vector.broadcast %logistic3A_59 : f32 to vector<2000x128xf32>
    %logistic3A_61 = arith.addf %logistic3A_60, %logistic3A_58 : vector<2000x128xf32>
    %logistic3A_62 = arith.divf %logistic3A_60, %logistic3A_61 : vector<2000x128xf32>
    %slice3A_63 = vector.extract_strided_slice %add3A_55 {offsets = [0, 128], sizes = [2000, 128], strides = [1, 1]} : vector<2000x384xf32> to vector<2000x128xf32>
    %logistic3A_64 = arith.negf %slice3A_63 : vector<2000x128xf32>
    %logistic3A_65 = math.exp %logistic3A_64 : vector<2000x128xf32>
    %logistic3A_66 = arith.constant 1.000000e+00 : f32
    %logistic3A_67 = vector.broadcast %logistic3A_66 : f32 to vector<2000x128xf32>
    %logistic3A_68 = arith.addf %logistic3A_67, %logistic3A_65 : vector<2000x128xf32>
    %logistic3A_69 = arith.divf %logistic3A_67, %logistic3A_68 : vector<2000x128xf32>
    %slice3A_70 = vector.extract_strided_slice %add3A_55 {offsets = [0, 256], sizes = [2000, 128], strides = [1, 1]} : vector<2000x384xf32> to vector<2000x128xf32>
    %tanh3A = math.tanh %slice3A_70 : vector<2000x128xf32>
    %mul3A_71 = arith.mulf %logistic3A_62, %tanh3A : vector<2000x128xf32>
    %add3A_72 = arith.addf %mul3A_71, %add3A_39 : vector<2000x128xf32>
    %tanh3A_73 = math.tanh %add3A_72 : vector<2000x128xf32>
    %mul3A_74 = arith.mulf %logistic3A_69, %tanh3A_73 : vector<2000x128xf32>
    %concatenate3A = tpu.concatenate %mul3A_74, %add3A_72 in 1 : vector<2000x128xf32>, vector<2000x128xf32> -> vector<2000x256xf32>
    %swap3A = arith.constant 0 : index
    %swap3A_75 = arith.constant 0 : index
    %swap3A_76 = vector.load %arg11[%swap3A, %swap3A_75] : memref<2000x256xf32, #tpu.memory_space<vmem>>, vector<2000x256xf32>
    tpu.vector_store %arg11[%swap3A, %swap3A_75], %concatenate3A {strides = array<i32>} : memref<2000x256xf32, #tpu.memory_space<vmem>>, vector<2000x256xf32>,
    return
  }
  func.func @transform_0(%arg0: i32) -> (i32, i32) {
    %c0_i32 = arith.constant 0 : i32
    %c0_i32_0 = arith.constant 0 : i32
    return %arg0, %c0_i32 : i32, i32
  }
  func.func @transform_1(%arg0: i32) -> (i32, i32) {
    %c0_i32 = arith.constant 0 : i32
    %c0_i32_0 = arith.constant 0 : i32
    return %arg0, %c0_i32 : i32, i32
  }
  func.func @transform_2(%arg0: i32) -> (i32, i32) {
    %c0_i32 = arith.constant 0 : i32
    %c0_i32_0 = arith.constant 0 : i32
    return %arg0, %c0_i32 : i32, i32
  }
  func.func @transform_3(%arg0: i32) -> (i32, i32) {
    %c0_i32 = arith.constant 0 : i32
    %c0_i32_0 = arith.constant 0 : i32
    return %arg0, %c0_i32 : i32, i32
  }
  func.func @transform_4(%arg0: i32) -> (i32, i32) {
    %c0_i32 = arith.constant 0 : i32
    %c0_i32_0 = arith.constant 0 : i32
    %c0_i32_1 = arith.constant 0 : i32
    return %c0_i32, %c0_i32_0 : i32, i32
  }
  func.func @transform_5(%arg0: i32) -> (i32, i32) {
    %c0_i32 = arith.constant 0 : i32
    %c0_i32_0 = arith.constant 0 : i32
    %c0_i32_1 = arith.constant 0 : i32
    return %c0_i32, %c0_i32_0 : i32, i32
  }
  func.func @transform_6(%arg0: i32) -> (i32, i32) {
    %c0_i32 = arith.constant 0 : i32
    %c0_i32_0 = arith.constant 0 : i32
    %c0_i32_1 = arith.constant 0 : i32
    return %c0_i32, %c0_i32_0 : i32, i32
  }
  func.func @transform_7(%arg0: i32) -> (i32, i32) {
    %c0_i32 = arith.constant 0 : i32
    %c0_i32_0 = arith.constant 0 : i32
    %c0_i32_1 = arith.constant 0 : i32
    return %c0_i32, %c0_i32_0 : i32, i32
  }
  func.func @transform_8(%arg0: i32) -> (i32, i32) {
    %c0_i32 = arith.constant 0 : i32
    %c0_i32_0 = arith.constant 0 : i32
    %c0_i32_1 = arith.constant 0 : i32
    return %c0_i32, %c0_i32_0 : i32, i32
  }
  func.func @transform_9(%arg0: i32) -> (i32, i32) {
    %c0_i32 = arith.constant 0 : i32
    %c0_i32_0 = arith.constant 0 : i32
    %c0_i32_1 = arith.constant 0 : i32
    return %c0_i32, %c0_i32_0 : i32, i32
  }
  func.func @transform_10(%arg0: i32) -> (i32, i32) {
    %c0_i32 = arith.constant 0 : i32
    %c0_i32_0 = arith.constant 0 : i32
    return %arg0, %c0_i32 : i32, i32
  }
}

</mosaic_0001>

<sc_bundles>
// kernel: kernel.4.cloned.1.call-start
scs
__scs_entry_jumppad:
0x0: {  	(pc) =	sbr.rel $0x88, $3  }
0x1: {  	(tag) =	ssettag $0x0;
	lr =	simm.s32 $0x1  }
0x2: {  	[smem:$0x3F95] =	sst lr;
	_ =	strace $0xD0000000  }
0x3: {  	_ = 	snop  }
0x4: {  	_ = 	snop  }
0x5: {  	_ = 	snop  }
0x6: {  	_ = 	snop  }
0x7: {  	_ = 	snop  }
__scs_overlays_trampoline_lowered:
0x8: {  	[smem:$0x3FA4] =	sst s0  }
0x9: {  	[smem:$0x3FA5] =	sst s1  }
0xa: {  	[smem:$0x3FA6] =	sst s2  }
0xb: {  	[smem:$0x3FA7] =	sst s3  }
0xc: {  	[smem:$0x3FA8] =	sst s4  }
0xd: {  	[smem:$0x3FA9] =	sst s5  }
0xe: {  	[smem:$0x3FAA] =	sst s6  }
0xf: {  	[smem:$0x3FAB] =	sst s7  }
0x10: {  	[smem:$0x3FAC] =	sst s8  }
0x11: {  	[smem:$0x3FAD] =	sst s9;
	s0 =	simm.s32 @!p0 $0x0  }
0x12: {  	s1 =	sld [smem:$0x3F93];
	s0 =	simm.s32 @p0 $0x1  }
0x13: {  	[smem:$0x3FAE] =	sst s0;
	s0 =	simm.s32 @!p1 $0x0  }
0x14: {  	s2 =	sld [smem:$0x3F92];
	s0 =	simm.s32 @p1 $0x1  }
0x15: {  	[smem:$0x3FAF] =	sst s0;
	s0 =	simm.s32 @!p2 $0x0  }
0x16: {  	s3 =	sld [smem:$0x3FDB];
	s0 =	simm.s32 @p2 $0x1  }
0x17: {  	s4 =	simm.s32 $0x1BF5;
	[smem:$0x3FB1] =	sst s0  }
0x18: {  	s0 =	sld [smem:$0x3F94];
	_ =	swait.ge [sflag:s4], $0x0  }
0x19: {  	s7 =	sld [smem:$0x3F95]  }
0x1a: {  	s8 =	sadd.s32 $0xFFFFE003, lr  }
0x1b: {  	s9 =	sadd.s32 $0xFFFFFEF7, lr;
	s5 =	simm.s32 $0xFFFFFFFF;
	p2 =	slt.u32 s8, $0xFFFFF086  }
0x1c: {  	p1 =	slt.u32 s9, $0xF7A;
	s5 =	simm.s32 @!p2 $0x0  }
0x1d: {  	s5 =	simm.s32 @p1 $0x1;
	p0 =	seq.s32 s7, s2  }
0x1e: {  	s7 =	smul.u32 @!p0 $0xF7A, s2;
	p2 =	seq.s32 @!p0 s5, $0x0  }
0x1f: {  	s9 =	smul.u32 $0xF7A, s1;
	s8 =	simm.s32 @!p0 $0x1BF5;
	p2 =	por !p2, p0  }
0x20: {  	[sflag:s8] =	ssyncset.s32 @!p0 $0xFFFFF086;
	s6 =	sadd.s32 @!p0 s3, s7;
	s7 =	simm.s32 @!p0 $0x108  }
0x21: {  	s3 =	sadd.s32 s3, s9;
	s6 =	sadd.s32 @!p0 $0x88, s6;
	s7 =	simm.s32 @p2 $0x1082  }
0x22: {  	[simem:s7], [sflag:s8] =	dma.local @!p0 [hbm:s6], $0xF7A  }
0x23: {  	s9 =	sor.u32 $0xD0000000, s2;
	s6 =	simm.s32 $0x108;
	_ =	swait.ge @!p0 [sflag:s8], $0x0  }
0x24: {  	s3 =	sadd.s32 $0x88, s3;
	s6 =	simm.s32 @!p1 $0x1082;
	[sflag:s4] =	ssyncset.s32 $0xFFFFF086  }
0x25: {  	[simem:s6], [sflag:s4] =	dma.local [hbm:s3], $0xF7A  }
0x26: {  	[smem:$0x3F95] =	sst s1;
	(tag) =	ssettag s2;
	_ =	strace s9  }
0x27: {  	s1 =	sld [smem:$0x3FA5]  }
0x28: {  	s2 =	sld [smem:$0x3FA6]  }
0x29: {  	s4 =	sld [smem:$0x3FA8]  }
0x2a: {  	p0 =	seq.s32 s5, $0x0;
	s5 =	sld [smem:$0x3FA9]  }
0x2b: {  	s6 =	sld [smem:$0x3FAA]  }
0x2c: {  	s7 =	sld [smem:$0x3FAB]  }
0x2d: {  	s3 =	simm.s32 $0x108;
	s8 =	sld [smem:$0x3FAC]  }
0x2e: {  	s3 =	simm.s32 @!p0 $0x1082;
	s9 =	sld [smem:$0x3FAD]  }
0x2f: {  	lr =	sadd.s32 s0, s3;
	s0 =	sld [smem:$0x3FA4]  }
0x30: {  	s3 =	sld [smem:$0x3FA7]  }
0x31: {  	[smem:$0x3FB0] =	sst s10  }
0x32: {  	s10 =	sld [smem:$0x3FAE];
	_ =	sdelay $0x3  }
0x33: {  	p0 =	seq.s32 s10, $0x1;
	s10 =	sld [smem:$0x3FB0];
	_ =	sdelay $0x3  }
0x34: {  	[smem:$0x3FB0] =	sst s10  }
0x35: {  	s10 =	sld [smem:$0x3FAF];
	_ =	sdelay $0x3  }
0x36: {  	p1 =	seq.s32 s10, $0x1;
	s10 =	sld [smem:$0x3FB0];
	_ =	sdelay $0x3  }
0x37: {  	[smem:$0x3FB0] =	sst s10  }
0x38: {  	s10 =	sld [smem:$0x3FB1]  }
0x39: {  	_ = 	snop;
	(pc) =	sbr.ind lr, $3  }
0x3a: {  	_ = 	snop  }
0x3b: {  	_ = 	snop  }
0x3c: {  	p2 =	seq.s32 s10, $0x1;
	s10 =	sld [smem:$0x3FB0]  }
0x3d: {  	_ =	shalt  }
0x3e: {  	_ =	shalt  }
0x3f: {  	_ =	shalt  }
0x40: {  	_ =	shalt  }
0x41: {  	_ =	shalt  }
0x42: {  	_ =	shalt  }
0x43: {  	_ =	shalt  }
0x44: {  	_ =	shalt  }
0x45: {  	_ =	shalt  }
0x46: {  	_ =	shalt  }
0x47: {  	_ =	shalt  }
0x48: {  	_ =	shalt  }
0x49: {  	_ =	shalt  }
0x4a: {  	_ =	shalt  }
0x4b: {  	_ =	shalt  }
0x4c: {  	_ =	shalt  }
0x4d: {  	_ =	shalt  }
0x4e: {  	_ =	shalt  }
0x4f: {  	_ =	shalt  }
0x50: {  	_ =	shalt  }
0x51: {  	_ =	shalt  }
0x52: {  	_ =	shalt  }
0x53: {  	_ =	shalt  }
0x54: {  	_ =	shalt  }
0x55: {  	_ =	shalt  }
0x56: {  	_ =	shalt  }
0x57: {  	_ =	shalt  }
0x58: {  	_ =	shalt  }
0x59: {  	_ =	shalt  }
0x5a: {  	_ =	shalt  }
0x5b: {  	_ =	shalt  }
0x5c: {  	_ =	shalt  }
0x5d: {  	_ =	shalt  }
0x5e: {  	_ =	shalt  }
0x5f: {  	_ =	shalt  }
0x60: {  	_ =	shalt  }
0x61: {  	_ =	shalt  }
0x62: {  	_ =	shalt  }
0x63: {  	_ =	shalt  }
0x64: {  	_ =	shalt  }
0x65: {  	_ =	shalt  }
0x66: {  	_ =	shalt  }
0x67: {  	_ =	shalt  }
0x68: {  	_ =	shalt  }
0x69: {  	_ =	shalt  }
0x6a: {  	_ =	shalt  }
0x6b: {  	_ =	shalt  }
0x6c: {  	_ =	shalt  }
0x6d: {  	_ =	shalt  }
0x6e: {  	_ =	shalt  }
0x6f: {  	_ =	shalt  }
0x70: {  	_ =	shalt  }
0x71: {  	_ =	shalt  }
0x72: {  	_ =	shalt  }
0x73: {  	_ =	shalt  }
0x74: {  	_ =	shalt  }
0x75: {  	_ =	shalt  }
0x76: {  	_ =	shalt  }
0x77: {  	_ =	shalt  }
0x78: {  	_ =	shalt  }
0x79: {  	_ =	shalt  }
0x7a: {  	_ =	shalt  }
0x7b: {  	_ =	shalt  }
0x7c: {  	_ =	shalt  }
0x7d: {  	_ =	shalt  }
0x7e: {  	_ =	shalt  }
0x7f: {  	_ =	shalt  }
0x80: {  	_ =	shalt  }
0x81: {  	_ =	shalt  }
0x82: {  	_ =	shalt  }
0x83: {  	_ =	shalt  }
0x84: {  	_ =	shalt  }
0x85: {  	_ =	shalt  }
0x86: {  	_ =	shalt  }
0x87: {  	_ =	shalt  }
.Lfunc_end0:
.L_simem_size_0:
called_computation_lowered:
.L_overlay_start_0:
0x88: {  	s2 =	sld [smem:$0x3FD9]  }
0x89: {  	s3 =	sld [smem:$0x3FFE];
	_ =	sdelay $0x1  }
0x8a: {  	s1 =	srdreg.scid  }
0x8b: {  	s0 =	sand.u32 $0x1, s1  }
0x8c: {  	s17 =	sshll.u32 s0, $0xA;
	s2 =	sadd.s32 s3, s2  }
0x8d: {  	s2 =	sadd.s32 s2, s17  }
0x8e: {  	[smem:$0x3FBC] =	sst s2  }
0x8f: {  	_ = 	snop  }
0x90: {  	s2 =	sld [smem:$0x3FD0];
	(tm) =	ssettm $0x1  }
0x91: {  	s18 =	sld [smem:$0x3FFB];
	_ =	sdelay $0x3  }
0x92: {  	_ =	strace s18  }
0x93: {  	s3 =	sld [smem:$0x3FFC];
	_ =	sdelay $0x3  }
0x94: {  	_ =	strace s3  }
0x95: {  	s3 =	sld [smem:$0x3FFD];
	_ =	sdelay $0x3  }
0x96: {  	_ =	strace s3  }
0x97: {  	_ =	strace $0x8FFFFFFF  }
0x98: {  	s19 =	sld [smem:$0x3FDB];
	_ =	sdelay $0x1  }
0x99: {  	s4 =	simm.s32 $_scs_section_size  }
0x9a: {  	s5 =	simm.s32 $_size__tile_overlayer_lowered;
	s6 =	simm.s32 $_tile_overlayer_lowered  }
0x9b: {  	s22 =	simm.s32 $0x1BFF;
	s21 =	sshll.u32 s6, $0x1;
	s3 =	sadd.s32 s4, s19  }
0x9c: {  	s7 =	simm.s32 $0x0;
	s20 =	sshll.u32 s5, $0x1;
	s5 =	sadd.s32 s21, s3  }
0x9d: {  	[timem:s7], [sflag:s22] =	dma.local [hbm:s5], s20  }
0x9e: {  	_ =	swait.ge [sflag:s22], s20  }
0x9f: {  	s4 =	ssub.s32 $0x0, s20;
	[sflag:s22] =	ssyncset.done $0x0  }
0xa0: {  	[sflag:s22] =	ssyncadd.s32 s4;
	_ =	sdelay $0x1  }
0xa1: {  	s23 =	simm.s32 $0x1B8B  }
0xa2: {  	_ =	swait.ge [sflag:s23], $0x1  }
0xa3: {  	[sflag:s23] =	ssyncset.done $0x0  }
0xa4: {  	s25 =	simm.s32 $0x1B8E;
	s24 =	sld [smem:$0x3FFE];
	[sflag:s23] =	ssyncadd.s32 $0xFFFFFFFF  }
0xa5: {  	s26 =	simm.s32 $execute0_lowered;
	[smem:$0x3FD2] =	sst s25  }
0xa6: {  	s5 =	sshll.u32 s26, $0x1;
	_ =	strace $0x80000046;
	[dreg:$0x1] =	wrdreg $0xFFFFFFFF  }
0xa7: {  	s28 =	simm.s32 $_size_execute0_lowered;
	s3 =	sadd.s32 s3, s5;
	[dreg:$0x0] =	wrdreg $0x0  }
0xa8: {  	s5 =	sshll.u32 s28, $0x1;
	[dreg:$0x2] =	wrdreg s3  }
0xa9: {  	[dreg:$0x3] =	wrdreg s5  }
0xaa: {  	[dreg:$0x4] =	wrdreg $0xC0  }
0xab: {  	_ =	task [dreg:s7], $0x5FFFF  }
0xac: {  	[dreg:$0x1] =	wrdreg $0xFFFFFFFF  }
0xad: {  	[dreg:$0x0] =	wrdreg $0x60  }
0xae: {  	[dreg:$0x2] =	wrdreg s2  }
0xaf: {  	[dreg:$0x3] =	wrdreg s24  }
0xb0: {  	[dreg:$0x4] =	wrdreg $0xBD000  }
0xb1: {  	[dreg:$0x5] =	wrdreg $0x9  }
0xb2: {  	_ =	task.clear_ibuf [dreg:s7], $0x6FFFF;
	_ =	strace $0x90000046  }
0xb3: {  	s29 =	simm.s32 $0x9;
	_ =	strace $0x80000048  }
0xb4: {  	_ =	swait.ge [sflag:s29], $0x1  }
0xb5: {  	[sflag:s29] =	ssyncadd.s32 $0xFFFFFFFF  }
0xb6: {  	_ =	strace $0x90000048  }
0xb7: {  	_ =	sfence  }
0xb8: {  	s30 =	sld [smem:$0x0];
	_ =	sdelay $0x2  }
0xb9: {  	s31 =	sshll.u32 s1, $0xD;
	s1 =	sshrl.u32 s1, $0x2  }
0xba: {  	s3 =	sand.u32 $0x4000, s31;
	s1 =	sadd.s32 s1, s30  }
0xbb: {  	s0 =	sor.u32 s3, s0;
	s1 =	sshll.u32 s1, $0x11  }
0xbc: {  	s0 =	sor.u32 s1, s0  }
0xbd: {  	s0 =	sadd.s32 $0x8F2B, s0  }
0xbe: {  	[sflag:s0] =	ssyncadd.remote.s32 $0x1  }
0xbf: {  	_ =	sfence.sel $0xFFFF  }
0xc0: {  	[dreg:$0x0] =	wrdreg $0xFFFFFFFF;
	(pc) =	sbr.abs _section_cstart, $3  }
0xc1: {  	[dreg:$0x1] =	wrdreg $0xFFFFFFFF  }
0xc2: {  	_ =	task.clear_ibuf [dreg:s7], $0x2FFFF;
	_ =	strace $0x9FFFFFFF  }
0xc3: {  	(tm) =	ssettm $0x7FFFFFFF  }
tec
execute0_lowered:
.L_overlay_start_1:
0x0: {  	(tag) =	ssettag $0x1  }
0x1: {  	s1 =	rddreg [dreg:$0x0]  }
0x2: {  	s2 =	srdreg.scid;
	s7 =	rddreg [dreg:$0x1]  }
0x3: {  	s0 =	stileid.u32;
	s3 =	rddreg [dreg:$0x2];
	s4 =	simm.s32 $0x0  }
0x4: {  	s16 =	simm.s32 $0x80;
	s17 =	simm.s32 $0x9D00;
	s8 =	smul.u32 $0x4E80, s0  }
0x5: {  	s18 =	simm.s32 $0x1;
	s6 =	sand.u32 $0x1, s2;
	s9 =	smul.u32 $0x13A00, s0  }
0x6: {  	s19 =	simm.s32 $0x0;
	s2 =	rddreg [dreg:$0x3];
	s5 =	smul.u32 $0x4E800, s6  }
0x7: {  	[smem:$0x7FF] =	sst s4;
	s14 =	sshll.u32 s0, $0x6;
	s11 =	smul.u32 $0x274000, s6  }
0x8: {  	_ =	strace $0x80000047;
	s12 =	ssub.s32 $0x2, s6;
	s6 =	sadd.s32 $0xD800, s7  }
0x9: {  	s14 =	sor.u32 $0x1C02, s14;
	s13 =	sshrl.u32 s12, $0x1;
	s15 =	sadd.s32 s9, s3  }
0xa: {  	s5 =	sadd.s32 s8, s5;
	s8 =	sshrl.u32 s8, $0x3;
	s11 =	sadd.s32 s9, s11  }
0xb: {  	s12 =	ssub.s32 s12, s13;
	s13 =	simm.s32 $0x4E80;
	s15 =	sshrl.u32 s15, $0x3  }
0xc: {  	s10 =	sshrl.u32 s5, $0x3;
	s5 =	sadd.s32 $0x2B200, s7;
	s11 =	sshrl.u32 s11, $0x3  }
0xd: {  	s8 =	sadd.s32 s8, s7;
	s10 =	sadd.s32 s10, s7;
	s11 =	sadd.s32 s11, s7  }
0xe: {  	s8 =	sadd.s32 $0x3A00, s8;
	s7 =	sadd.s32 $0x17800, s10;
	s9 =	sadd.s32 $0x52400, s11  }
0xf: {  	s10 =	sadd.s32 $0x79800, s11;
	s11 =	smax.u32 s12, $0x1;
	s12 =	simm.s32 $0x2  }
.LBB2_1:
0x10: {  	[tilespmem:s4], [sflag:$0x2] =	stream.linear.gather [hbm4b:s7+s4], $0x4E80, $0x38;
	[tilespmem:$0x1F700] =	vst v63  }
0x11: {  	_ =	swait.ge [sflag:s12], $0x4E80  }
0x12: {  	[sflag:s12] =	ssyncset.done $0x0  }
0x13: {  	[sflag:s12] =	ssyncadd.s32 $0xFFFFB180  }
0x14: {  	[tilespmem:s13], [sflag:$0x2] =	stream.linear.gather [hbm4b:s8+s4], $0x4E80, $0x38;
	[tilespmem:$0x1F700] =	vst v63  }
0x15: {  	_ =	swait.ge [sflag:s12], $0x4E80  }
0x16: {  	[sflag:s12] =	ssyncset.done $0x0  }
0x17: {  	[sflag:s12] =	ssyncadd.s32 $0xFFFFB180  }
0x18: {  	[spmem:s15], [sflag:s14] =	dma.local [hbm:s6], $0x2740  }
0x19: {  	_ =	swait.ge [sflag:s12], $0x2740  }
0x1a: {  	[sflag:s12] =	ssyncset.done $0x0  }
0x1b: {  	[sflag:s12] =	ssyncadd.s32 $0xFFFFD8C0  }
0x1c: {  	s20 =	simm.s32 $0x0;
	[bflag:$0x0] =	sbarrier.arrive $0xFFFF  }
0x1d: {  	[tilespmem:s17], [sflag:$0x1] =	stream.indirect.gather [hbm4b:s1+s16], $0x40, s20, s16, $0xb8;
	[tilespmem:$0x1F700] =	vst v63  }
0x1e: {  	_ =	swait.ge [sflag:s18], $0x2000  }
0x1f: {  	[sflag:s18] =	ssyncset.done $0x0  }
0x20: {  	s31 =	simm.s32 $0x4E80;
	[sflag:s18] =	ssyncadd.s32 $0xFFFFE000  }
0x21: {  	[spmem:s3] =	stream.indirect.scatter.add.f32 [tilespmem:s17], [sflag:$0x2], $0x40, s31, s16, $0xb8;
	[tilespmem:$0x1F700] =	vst v63  }
0x22: {  	_ =	swait.ge [sflag:s12], $0x2000  }
0x23: {  	s21 =	simm.s32 $0x400;
	s20 =	simm.s32 $0x200;
	[sflag:s12] =	ssyncset.done $0x0  }
.LBB2_2:
0x24: {  	s22 =	sshra.s32 s20, $0x2  }
0x25: {  	[sflag:s12] =	ssyncadd.s32 $0xFFFFE000;
	s20 =	smov.u32 s21;
	s23 =	sadd.s32 $0x200, s21  }
0x26: {  	[tilespmem:s17], [sflag:$0x1] =	stream.indirect.gather [hbm4b:s1+s16], $0x40, s22, s16, $0xb8;
	[tilespmem:$0x1F700] =	vst v63  }
0x27: {  	p0 =	sne.s32 s21, $0x13800;
	_ =	swait.ge [sflag:s18], $0x2000  }
.Ltmp0:
0x28: {  	[sflag:s18] =	ssyncset.done $0x0;
	(pc) =	sbr.rel @p0 .LBB2_2-.Ltmp0, $4  }
0x29: {  	s21 =	sadd.s32 $0x4E80, s22;
	[sflag:s18] =	ssyncadd.s32 $0xFFFFE000  }
0x2a: {  	[spmem:s3] =	stream.indirect.scatter.add.f32 [tilespmem:s17], [sflag:$0x2], $0x40, s21, s16, $0xb8;
	[tilespmem:$0x1F700] =	vst v63  }
0x2b: {  	_ =	swait.ge [sflag:s12], $0x2000  }
0x2c: {  	s21 =	smov.u32 s23;
	[sflag:s12] =	ssyncset.done $0x0  }
0x2d: {  	s20 =	sshra.s32 s20, $0x2;
	[sflag:s12] =	ssyncadd.s32 $0xFFFFE000  }
0x2e: {  	[tilespmem:s17], [sflag:$0x1] =	stream.indirect.gather [hbm4b:s1+s16], $0x40, s20, s16, $0xb8;
	[tilespmem:$0x1F700] =	vst v63  }
0x2f: {  	_ =	swait.ge [sflag:s18], $0x2000  }
0x30: {  	[sflag:s18] =	ssyncset.done $0x0  }
0x31: {  	s20 =	sadd.s32 $0x4E80, s20;
	[sflag:s18] =	ssyncadd.s32 $0xFFFFE000  }
0x32: {  	[spmem:s3] =	stream.indirect.scatter.add.f32 [tilespmem:s17], [sflag:$0x2], $0x40, s20, s16, $0xb8;
	[tilespmem:$0x1F700] =	vst v63  }
0x33: {  	_ =	swait.ge [sflag:s12], $0x2000  }
0x34: {  	[sflag:s12] =	ssyncset.done $0x0  }
0x35: {  	[sflag:s12] =	ssyncadd.s32 $0xFFFFE000  }
0x36: {  	[bflag:$0x0] =	sbarrier.arrive $0xFFFF  }
0x37: {  	[hbm:s9], [sflag:s14] =	dma.local [spmem:s15], $0x2740  }
0x38: {  	_ =	swait.ge [sflag:s12], $0x2740  }
0x39: {  	[sflag:s12] =	ssyncset.done $0x0  }
0x3a: {  	[sflag:s12] =	ssyncadd.s32 $0xFFFFD8C0  }
0x3b: {  	[spmem:s15], [sflag:s14] =	dma.local [hbm:s6], $0x2740  }
0x3c: {  	_ =	swait.ge [sflag:s12], $0x2740  }
0x3d: {  	[sflag:s12] =	ssyncset.done $0x0  }
0x3e: {  	[sflag:s12] =	ssyncadd.s32 $0xFFFFD8C0  }
0x3f: {  	s30 =	simm.s32 $0x0;
	[bflag:$0x0] =	sbarrier.arrive $0xFFFF  }
0x40: {  	[tilespmem:s17], [sflag:$0x1] =	stream.indirect.gather [hbm4b:s5+s16], $0x40, s30, s16, $0xb8;
	[tilespmem:$0x1F700] =	vst v63  }
0x41: {  	_ =	swait.ge [sflag:s18], $0x2000  }
0x42: {  	[sflag:s18] =	ssyncset.done $0x0  }
0x43: {  	s31 =	simm.s32 $0x4E80;
	[sflag:s18] =	ssyncadd.s32 $0xFFFFE000  }
0x44: {  	[spmem:s3] =	stream.indirect.scatter.add.f32 [tilespmem:s17], [sflag:$0x2], $0x40, s31, s16, $0xb8;
	[tilespmem:$0x1F700] =	vst v63  }
0x45: {  	_ =	swait.ge [sflag:s12], $0x2000  }
0x46: {  	s21 =	simm.s32 $0x400;
	s20 =	simm.s32 $0x200;
	[sflag:s12] =	ssyncset.done $0x0  }
.LBB2_4:
0x47: {  	s22 =	sshra.s32 s20, $0x2  }
0x48: {  	[sflag:s12] =	ssyncadd.s32 $0xFFFFE000;
	s20 =	smov.u32 s21;
	s23 =	sadd.s32 $0x200, s21  }
0x49: {  	[tilespmem:s17], [sflag:$0x1] =	stream.indirect.gather [hbm4b:s5+s16], $0x40, s22, s16, $0xb8;
	[tilespmem:$0x1F700] =	vst v63  }
0x4a: {  	p0 =	sne.s32 s21, $0x13800;
	_ =	swait.ge [sflag:s18], $0x2000  }
.Ltmp1:
0x4b: {  	[sflag:s18] =	ssyncset.done $0x0;
	(pc) =	sbr.rel @p0 .LBB2_4-.Ltmp1, $4  }
0x4c: {  	s21 =	sadd.s32 $0x4E80, s22;
	[sflag:s18] =	ssyncadd.s32 $0xFFFFE000  }
0x4d: {  	[spmem:s3] =	stream.indirect.scatter.add.f32 [tilespmem:s17], [sflag:$0x2], $0x40, s21, s16, $0xb8;
	[tilespmem:$0x1F700] =	vst v63  }
0x4e: {  	_ =	swait.ge [sflag:s12], $0x2000  }
0x4f: {  	s21 =	smov.u32 s23;
	[sflag:s12] =	ssyncset.done $0x0  }
0x50: {  	s20 =	sshra.s32 s20, $0x2;
	[sflag:s12] =	ssyncadd.s32 $0xFFFFE000  }
0x51: {  	[tilespmem:s17], [sflag:$0x1] =	stream.indirect.gather [hbm4b:s5+s16], $0x40, s20, s16, $0xb8;
	[tilespmem:$0x1F700] =	vst v63  }
0x52: {  	_ =	swait.ge [sflag:s18], $0x2000  }
0x53: {  	[sflag:s18] =	ssyncset.done $0x0  }
0x54: {  	s20 =	sadd.s32 $0x4E80, s20;
	[sflag:s18] =	ssyncadd.s32 $0xFFFFE000  }
0x55: {  	[spmem:s3] =	stream.indirect.scatter.add.f32 [tilespmem:s17], [sflag:$0x2], $0x40, s20, s16, $0xb8;
	[tilespmem:$0x1F700] =	vst v63  }
0x56: {  	_ =	swait.ge [sflag:s12], $0x2000  }
0x57: {  	s19 =	sadd.s32 $0x1, s19;
	[sflag:s12] =	ssyncset.done $0x0  }
0x58: {  	p0 =	sne.s32 s19, s11;
	[sflag:s12] =	ssyncadd.s32 $0xFFFFE000  }
.Ltmp2:
0x59: {  	[bflag:$0x0] =	sbarrier.arrive $0xFFFF;
	(pc) =	sbr.rel @p0 .LBB2_1-.Ltmp2, $4  }
0x5a: {  	[hbm:s10], [sflag:s14] =	dma.local [spmem:s15], $0x2740  }
0x5b: {  	_ =	swait.ge [sflag:s12], $0x2740  }
0x5c: {  	[sflag:s12] =	ssyncset.done $0x0  }
0x5d: {  	[sflag:s12] =	ssyncadd.s32 $0xFFFFD8C0  }
0x5e: {  	_ =	sfence.sel $0x180000  }
0x5f: {  	[bflag:$0x0] =	sbarrier.arrive $0xFFFF  }
0x60: {  	p0 =	sne.s32 s0, $0x0;
	_ =	strace $0x90000047  }
0x61: {  	s0 =	sadd.s32 @!p0 $0x100000, s2;
	[bflag:$0x2] =	sbarrier.arrive $0xFFFF  }
0x62: {  	[sflag:s0] =	ssyncadd.tile.s32 @!p0 $0x1;
	_ =	shalt  }
.Lfunc_end2:
_tile_overlayer_lowered:
.L_overlay_start_2:
0x63: {  	(tag) =	ssettag $0x2  }
0x64: {  	s0 =	rddreg [dreg:$0x0];
	s2 =	stileid.u32  }
0x65: {  	s1 =	rddreg [dreg:$0x1];
	p0 =	sne.s32 s2, $0x0  }
0x66: {  	s3 =	rddreg [dreg:$0x2];
	[bflag:$0x3] =	sbarrier.arrive $0xFFFF;
	s2 =	simm.s32 @!p0 $0x1C02  }
0x67: {  	[timem:s3], [sflag:s2] =	dma.local @!p0 [hbm:s0], s1  }
0x68: {  	s0 =	simm.s32 @!p0 $0x2  }
0x69: {  	_ =	swait.ge @!p0 [sflag:s0], s1  }
0x6a: {  	s1 =	ssub.s32 @!p0 $0x0, s1;
	[sflag:s0] =	ssyncset.done @!p0 $0x0  }
0x6b: {  	[sflag:s0] =	ssyncadd.s32 @!p0 s1  }
0x6c: {  	[bflag:$0x3] =	sbarrier.arrive $0xFFFF  }
0x6d: {  	_ =	shalt  }

</sc_bundles>
